<compile_context>
chip_gen: v7x
topology: tpu7x:2x2x1
jax: 0.10.2.dev20260603
libtpu: 0.0.44.dev20260713+nightly
codegen_flags: <defaults>
</compile_context>

<pallas_src>
import functools

import jax
import jax.numpy as jnp
from jax import lax
from jax.experimental import pallas as pl
from jax.experimental.pallas import tpu as pltpu
from jax.experimental.pallas import tpu_sc as plsc

_BATCH = 16384
_FIELDS = 26
_LANES = 16
_NUM_CORES = 2
_NUM_SUBCORES = 16
_NUM_WORKERS = _NUM_CORES * _NUM_SUBCORES
_ROWS_W = _BATCH // _NUM_WORKERS
_CHUNK = 128
_NCHUNKS = _ROWS_W // _CHUNK
_GROUPS = _ROWS_W // _LANES


def _make_kernel():
  mesh = plsc.VectorSubcoreMesh(core_axis_name="c", subcore_axis_name="s")

  @functools.partial(
      pl.kernel,
      mesh=mesh,
      out_type=jax.ShapeDtypeStruct((_BATCH,), jnp.float32),
      scratch_types=[
          pltpu.VMEM((_FIELDS, _ROWS_W), jnp.int32),
          pltpu.VMEM((_FIELDS, _ROWS_W), jnp.float32),
          pltpu.VMEM((_ROWS_W,), jnp.float32),
          pltpu.VMEM((_LANES,), jnp.float32),
          pltpu.SemaphoreType.DMA,
          pltpu.SemaphoreType.DMA,
      ],
  )
  def body(x_hbm, w_hbm, b_hbm, out_hbm, idx_v, vals_v, acc_v, bias_v,
           sem_i, sem_g):
    wid = lax.axis_index("s") * _NUM_CORES + lax.axis_index("c")
    base = wid * _ROWS_W
    pltpu.sync_copy(b_hbm, bias_v)

    def fire_idx(f, carry):
      pltpu.async_copy(
          x_hbm.at[pl.ds(f * _BATCH + base, _ROWS_W)], idx_v.at[f], sem_i)
      return carry

    lax.fori_loop(0, _FIELDS, fire_idx, None)

    def drain_idx(f, carry):
      pltpu.make_async_copy(
          x_hbm.at[pl.ds(0, _ROWS_W)], idx_v.at[f], sem_i).wait()
      return carry

    lax.fori_loop(0, _FIELDS, drain_idx, None)

    def fire_gather(f, carry):
      for r in range(_NCHUNKS):
        sl = pl.ds(r * _CHUNK, _CHUNK)
        pltpu.async_copy(w_hbm.at[idx_v.at[f, sl]], vals_v.at[f, sl], sem_g)
      return carry

    lax.fori_loop(0, _FIELDS, fire_gather, None)

    def drain_gather(f, carry):
      pltpu.make_async_copy(
          w_hbm.at[pl.ds(0, _ROWS_W)], vals_v.at[f], sem_g).wait()
      return carry

    lax.fori_loop(0, _FIELDS, drain_gather, None)

    bvec = bias_v[...]

    def accumulate(g, carry):
      sl = pl.ds(g * _LANES, _LANES)
      acc = bvec
      for f in range(_FIELDS):
        acc = acc + vals_v[f, sl]
      acc_v[sl] = acc
      return carry

    lax.fori_loop(0, _GROUPS, accumulate, None)
    pltpu.sync_copy(acc_v, out_hbm.at[pl.ds(base, _ROWS_W)])

  return body


_kernel_fn = _make_kernel()


def kernel(x, W, bias):
  xt = jnp.transpose(x).reshape(-1)
  wf = W.reshape(-1)
  b16 = jnp.broadcast_to(bias.astype(jnp.float32), (_LANES,))
  out = _kernel_fn(xt, wf, b16)
  return out.reshape(_BATCH, 1)

# --- scband reference (transcript-rebuilt; emitter-appended) ---
"""Pipeline reference for scband-linear-11974368821365 (READ-ONLY COPY).

The authoritative reference and input builder live on the scoring server;
editing this copy changes nothing except your own understanding.
"""

import jax, jax.numpy as jnp
import numpy as np

NUM_FEAT = 1000000
PADDING_IDX = 0
OUTPUT_DIM = 1
BATCH = 16384
NUM_FIELDS = 26


def setup_inputs(seed: int = 0) -> dict:
    key = jax.random.key(seed)
    k_idx, k_w = jax.random.split(key)
    # indices: Long tensor (batch_size, num_fields), values in [0, num_feat]
    x = jax.random.randint(k_idx, (BATCH, NUM_FIELDS), 0, NUM_FEAT, dtype=jnp.int32)
    # Embedding weight (num_feat+1, output_dim), xavier_uniform_ init.
    # NOTE: the torch code calls xavier_uniform_ on the full weight AFTER
    # construction, so the padding_idx row is NOT zero in the forward pass.
    fan_in = NUM_FEAT + 1
    fan_out = OUTPUT_DIM
    bound = float(np.sqrt(6.0 / (fan_in + fan_out)))
    W = jax.random.uniform(k_w, (NUM_FEAT + 1, OUTPUT_DIM), minval=-bound, maxval=bound, dtype=jnp.float32)
    bias = jnp.zeros((OUTPUT_DIM,), dtype=jnp.float32)
    return {"x": x, "W": W, "bias": bias}


def reference(x, W, bias):
    # fc(x): gather rows -> (batch, num_fields, output_dim)
    emb = jnp.take(W, x, axis=0)
    # sum over fields + bias -> (batch, output_dim)
    out = jnp.sum(emb, axis=1) + bias
    return out

if __name__ == "__main__":
    import jax
    _d = setup_inputs()
    print(jax.jit(kernel)(*tuple(_d.values())))

</pallas_src>

<mosaic_0001>
#map = affine_map<(d0, d1) -> (0)>
module attributes {stable_mosaic.version = 14 : i64} {
  func.func @body(%arg0: i32, %arg1: i32, %arg2: memref<425984xi32, #tpu.memory_space<hbm>>, %arg3: memref<1000001xf32, #tpu.memory_space<hbm>>, %arg4: memref<16xf32, #tpu.memory_space<hbm>>, %arg5: memref<16384xf32, #tpu.memory_space<hbm>>, %arg6: memref<26x512xi32, #tpu.memory_space<vmem>>, %arg7: memref<26x512xf32, #tpu.memory_space<vmem>>, %arg8: memref<512xf32, #tpu.memory_space<vmem>>, %arg9: memref<16xf32, #tpu.memory_space<vmem>>, %arg10: memref<!tpu.dma_semaphore, #tpu.memory_space<semaphore_mem>>, %arg11: memref<!tpu.dma_semaphore, #tpu.memory_space<semaphore_mem>>) attributes {dimension_semantics = [#tpu.dimension_semantics<core_parallel>, #tpu.dimension_semantics<subcore_parallel>], iteration_bounds = array<i64: 2, 16>, scalar_prefetch = 0 : i64, scratch_operands = 6 : i64, tpu.core_type = #tpu.core_type<sc_vector_subcore>, window_params = [{transform_indices = #map}, {transform_indices = #map}, {transform_indices = #map}, {transform_indices = #map}]} {
    %mul3A = arith.constant 2 : i32
    %mul3A_0 = arith.muli %arg1, %mul3A : i32
    %add3A = arith.addi %mul3A_0, %arg0 : i32
    %mul3A_1 = arith.constant 512 : i32
    %mul3A_2 = arith.muli %add3A, %mul3A_1 : i32
    "tpu.region"() ({
      %run_scoped3A = tpu.sem_alloc : memref<!tpu.dma_semaphore, #tpu.memory_space<semaphore_mem>>
      tpu.enqueue_dma source(%arg4 : memref<16xf32, #tpu.memory_space<hbm>>) target(%arg9 : memref<16xf32, #tpu.memory_space<vmem>>) target_semaphore(%run_scoped3A : memref<!tpu.dma_semaphore, #tpu.memory_space<semaphore_mem>>)
      tpu.wait_dma2 semaphore(%run_scoped3A : memref<!tpu.dma_semaphore, #tpu.memory_space<semaphore_mem>>) src(%arg4 : memref<16xf32, #tpu.memory_space<hbm>>) dst(%arg9 : memref<16xf32, #tpu.memory_space<vmem>>)
      tpu.yield
    }) : () -> ()
    %scan3A = arith.constant 0 : i32
    %scan3A_3 = arith.constant 26 : i32
    %scan3A_4 = arith.addi %scan3A, %scan3A_3 : i32
    %scan3A_5 = arith.constant 1 : i32
    scf.for %scan3A_29 = %scan3A to %scan3A_4 step %scan3A_5  : i32 {
      %mul3A_30 = arith.constant 16384 : i32
      %mul3A_31 = arith.muli %scan3A_29, %mul3A_30 : i32
      %add3A_32 = arith.addi %mul3A_31, %mul3A_2 : i32
      %dma_start3A = arith.constant 0 : i32
      %dma_start3A_33 = tpu.memref_slice %arg6[%scan3A_29, %dma_start3A] : memref<26x512xi32, #tpu.memory_space<vmem>> -> memref<1x512xi32, #tpu.memory_space<vmem>>
      %dma_start3A_34 = tpu.memref_squeeze %dma_start3A_33 : memref<1x512xi32, #tpu.memory_space<vmem>> -> memref<512xi32, #tpu.memory_space<vmem>>
      %dma_start3A_35 = tpu.memref_slice %arg2[%add3A_32] : memref<425984xi32, #tpu.memory_space<hbm>> -> memref<512xi32, #tpu.memory_space<hbm>>
      %dma_start3A_36 = arith.constant 0 : i32
      %dma_start3A_37 = tpu.memref_slice %arg6[%scan3A_29, %dma_start3A_36] : memref<26x512xi32, #tpu.memory_space<vmem>> -> memref<1x512xi32, #tpu.memory_space<vmem>>
      %dma_start3A_38 = tpu.memref_squeeze %dma_start3A_37 : memref<1x512xi32, #tpu.memory_space<vmem>> -> memref<512xi32, #tpu.memory_space<vmem>>
      %dma_start3A_39 = tpu.memref_slice %arg2[%add3A_32] : memref<425984xi32, #tpu.memory_space<hbm>> -> memref<512xi32, #tpu.memory_space<hbm>>
      tpu.enqueue_dma source(%dma_start3A_39 : memref<512xi32, #tpu.memory_space<hbm>>) target(%dma_start3A_38 : memref<512xi32, #tpu.memory_space<vmem>>) target_semaphore(%arg10 : memref<!tpu.dma_semaphore, #tpu.memory_space<semaphore_mem>>)
    }
    %scan3A_6 = arith.constant 26 : i32
    %scan3A_7 = arith.constant 0 : i32
    %scan3A_8 = arith.constant 26 : i32
    %scan3A_9 = arith.addi %scan3A_7, %scan3A_8 : i32
    %scan3A_10 = arith.constant 1 : i32
    scf.for %scan3A_29 = %scan3A_7 to %scan3A_9 step %scan3A_10  : i32 {
      %dma_wait3A = arith.constant 0 : i32
      %dma_wait3A_30 = tpu.memref_slice %arg6[%scan3A_29, %dma_wait3A] : memref<26x512xi32, #tpu.memory_space<vmem>> -> memref<1x512xi32, #tpu.memory_space<vmem>>
      %dma_wait3A_31 = tpu.memref_squeeze %dma_wait3A_30 : memref<1x512xi32, #tpu.memory_space<vmem>> -> memref<512xi32, #tpu.memory_space<vmem>>
      %dma_wait3A_32 = arith.constant 0 : i32
      %dma_wait3A_33 = tpu.memref_slice %arg2[%dma_wait3A_32] : memref<425984xi32, #tpu.memory_space<hbm>> -> memref<512xi32, #tpu.memory_space<hbm>>
      %dma_wait3A_34 = arith.constant 0 : i32
      %dma_wait3A_35 = tpu.memref_slice %arg6[%scan3A_29, %dma_wait3A_34] : memref<26x512xi32, #tpu.memory_space<vmem>> -> memref<1x512xi32, #tpu.memory_space<vmem>>
      %dma_wait3A_36 = tpu.memref_squeeze %dma_wait3A_35 : memref<1x512xi32, #tpu.memory_space<vmem>> -> memref<512xi32, #tpu.memory_space<vmem>>
      %dma_wait3A_37 = arith.constant 0 : i32
      %dma_wait3A_38 = tpu.memref_slice %arg2[%dma_wait3A_37] : memref<425984xi32, #tpu.memory_space<hbm>> -> memref<512xi32, #tpu.memory_space<hbm>>
      tpu.wait_dma2 semaphore(%arg10 : memref<!tpu.dma_semaphore, #tpu.memory_space<semaphore_mem>>) src(%dma_wait3A_38 : memref<512xi32, #tpu.memory_space<hbm>>) dst(%dma_wait3A_36 : memref<512xi32, #tpu.memory_space<vmem>>)
    }
    %scan3A_11 = arith.constant 26 : i32
    %scan3A_12 = arith.constant 0 : i32
    %scan3A_13 = arith.constant 26 : i32
    %scan3A_14 = arith.addi %scan3A_12, %scan3A_13 : i32
    %scan3A_15 = arith.constant 1 : i32
    scf.for %scan3A_29 = %scan3A_12 to %scan3A_14 step %scan3A_15  : i32 {
      %dma_start3A = arith.constant 0 : i32
      %dma_start3A_30 = tpu.memref_slice %arg7[%scan3A_29, %dma_start3A] : memref<26x512xf32, #tpu.memory_space<vmem>> -> memref<1x128xf32, #tpu.memory_space<vmem>>
      %dma_start3A_31 = tpu.memref_squeeze %dma_start3A_30 : memref<1x128xf32, #tpu.memory_space<vmem>> -> memref<128xf32, #tpu.memory_space<vmem>>
      %dma_start3A_32 = arith.constant 0 : i32
      %dma_start3A_33 = tpu.memref_slice %arg6[%scan3A_29, %dma_start3A_32] : memref<26x512xi32, #tpu.memory_space<vmem>> -> memref<1x128xi32, #tpu.memory_space<vmem>>
      %dma_start3A_34 = tpu.memref_squeeze %dma_start3A_33 : memref<1x128xi32, #tpu.memory_space<vmem>> -> memref<128xi32, #tpu.memory_space<vmem>>
      %dma_start3A_35 = arith.constant 0 : i32
      %dma_start3A_36 = tpu.memref_slice %arg3[%dma_start3A_35] : memref<1000001xf32, #tpu.memory_space<hbm>> -> memref<1000001xf32, #tpu.memory_space<hbm>>
      tpu.enqueue_indirect_dma source(%dma_start3A_36 : memref<1000001xf32, #tpu.memory_space<hbm>>) target(%dma_start3A_31 : memref<128xf32, #tpu.memory_space<vmem>>) offsets(%dma_start3A_34 : memref<128xi32, #tpu.memory_space<vmem>>) semaphore(%arg11 : memref<!tpu.dma_semaphore, #tpu.memory_space<semaphore_mem>>)
      %dma_start3A_37 = arith.constant 128 : i32
      %dma_start3A_38 = tpu.memref_slice %arg7[%scan3A_29, %dma_start3A_37] : memref<26x512xf32, #tpu.memory_space<vmem>> -> memref<1x128xf32, #tpu.memory_space<vmem>>
      %dma_start3A_39 = tpu.memref_squeeze %dma_start3A_38 : memref<1x128xf32, #tpu.memory_space<vmem>> -> memref<128xf32, #tpu.memory_space<vmem>>
      %dma_start3A_40 = arith.constant 128 : i32
      %dma_start3A_41 = tpu.memref_slice %arg6[%scan3A_29, %dma_start3A_40] : memref<26x512xi32, #tpu.memory_space<vmem>> -> memref<1x128xi32, #tpu.memory_space<vmem>>
      %dma_start3A_42 = tpu.memref_squeeze %dma_start3A_41 : memref<1x128xi32, #tpu.memory_space<vmem>> -> memref<128xi32, #tpu.memory_space<vmem>>
      %dma_start3A_43 = arith.constant 0 : i32
      %dma_start3A_44 = tpu.memref_slice %arg3[%dma_start3A_43] : memref<1000001xf32, #tpu.memory_space<hbm>> -> memref<1000001xf32, #tpu.memory_space<hbm>>
      tpu.enqueue_indirect_dma source(%dma_start3A_44 : memref<1000001xf32, #tpu.memory_space<hbm>>) target(%dma_start3A_39 : memref<128xf32, #tpu.memory_space<vmem>>) offsets(%dma_start3A_42 : memref<128xi32, #tpu.memory_space<vmem>>) semaphore(%arg11 : memref<!tpu.dma_semaphore, #tpu.memory_space<semaphore_mem>>)
      %dma_start3A_45 = arith.constant 256 : i32
      %dma_start3A_46 = tpu.memref_slice %arg7[%scan3A_29, %dma_start3A_45] : memref<26x512xf32, #tpu.memory_space<vmem>> -> memref<1x128xf32, #tpu.memory_space<vmem>>
      %dma_start3A_47 = tpu.memref_squeeze %dma_start3A_46 : memref<1x128xf32, #tpu.memory_space<vmem>> -> memref<128xf32, #tpu.memory_space<vmem>>
      %dma_start3A_48 = arith.constant 256 : i32
      %dma_start3A_49 = tpu.memref_slice %arg6[%scan3A_29, %dma_start3A_48] : memref<26x512xi32, #tpu.memory_space<vmem>> -> memref<1x128xi32, #tpu.memory_space<vmem>>
      %dma_start3A_50 = tpu.memref_squeeze %dma_start3A_49 : memref<1x128xi32, #tpu.memory_space<vmem>> -> memref<128xi32, #tpu.memory_space<vmem>>
      %dma_start3A_51 = arith.constant 0 : i32
      %dma_start3A_52 = tpu.memref_slice %arg3[%dma_start3A_51] : memref<1000001xf32, #tpu.memory_space<hbm>> -> memref<1000001xf32, #tpu.memory_space<hbm>>
      tpu.enqueue_indirect_dma source(%dma_start3A_52 : memref<1000001xf32, #tpu.memory_space<hbm>>) target(%dma_start3A_47 : memref<128xf32, #tpu.memory_space<vmem>>) offsets(%dma_start3A_50 : memref<128xi32, #tpu.memory_space<vmem>>) semaphore(%arg11 : memref<!tpu.dma_semaphore, #tpu.memory_space<semaphore_mem>>)
      %dma_start3A_53 = arith.constant 384 : i32
      %dma_start3A_54 = tpu.memref_slice %arg7[%scan3A_29, %dma_start3A_53] : memref<26x512xf32, #tpu.memory_space<vmem>> -> memref<1x128xf32, #tpu.memory_space<vmem>>
      %dma_start3A_55 = tpu.memref_squeeze %dma_start3A_54 : memref<1x128xf32, #tpu.memory_space<vmem>> -> memref<128xf32, #tpu.memory_space<vmem>>
      %dma_start3A_56 = arith.constant 384 : i32
      %dma_start3A_57 = tpu.memref_slice %arg6[%scan3A_29, %dma_start3A_56] : memref<26x512xi32, #tpu.memory_space<vmem>> -> memref<1x128xi32, #tpu.memory_space<vmem>>
      %dma_start3A_58 = tpu.memref_squeeze %dma_start3A_57 : memref<1x128xi32, #tpu.memory_space<vmem>> -> memref<128xi32, #tpu.memory_space<vmem>>
      %dma_start3A_59 = arith.constant 0 : i32
      %dma_start3A_60 = tpu.memref_slice %arg3[%dma_start3A_59] : memref<1000001xf32, #tpu.memory_space<hbm>> -> memref<1000001xf32, #tpu.memory_space<hbm>>
      tpu.enqueue_indirect_dma source(%dma_start3A_60 : memref<1000001xf32, #tpu.memory_space<hbm>>) target(%dma_start3A_55 : memref<128xf32, #tpu.memory_space<vmem>>) offsets(%dma_start3A_58 : memref<128xi32, #tpu.memory_space<vmem>>) semaphore(%arg11 : memref<!tpu.dma_semaphore, #tpu.memory_space<semaphore_mem>>)
    }
    %scan3A_16 = arith.constant 26 : i32
    %scan3A_17 = arith.constant 0 : i32
    %scan3A_18 = arith.constant 26 : i32
    %scan3A_19 = arith.addi %scan3A_17, %scan3A_18 : i32
    %scan3A_20 = arith.constant 1 : i32
    scf.for %scan3A_29 = %scan3A_17 to %scan3A_19 step %scan3A_20  : i32 {
      %dma_wait3A = arith.constant 0 : i32
      %dma_wait3A_30 = tpu.memref_slice %arg7[%scan3A_29, %dma_wait3A] : memref<26x512xf32, #tpu.memory_space<vmem>> -> memref<1x512xf32, #tpu.memory_space<vmem>>
      %dma_wait3A_31 = tpu.memref_squeeze %dma_wait3A_30 : memref<1x512xf32, #tpu.memory_space<vmem>> -> memref<512xf32, #tpu.memory_space<vmem>>
      %dma_wait3A_32 = arith.constant 0 : i32
      %dma_wait3A_33 = tpu.memref_slice %arg3[%dma_wait3A_32] : memref<1000001xf32, #tpu.memory_space<hbm>> -> memref<512xf32, #tpu.memory_space<hbm>>
      %dma_wait3A_34 = arith.constant 0 : i32
      %dma_wait3A_35 = tpu.memref_slice %arg7[%scan3A_29, %dma_wait3A_34] : memref<26x512xf32, #tpu.memory_space<vmem>> -> memref<1x512xf32, #tpu.memory_space<vmem>>
      %dma_wait3A_36 = tpu.memref_squeeze %dma_wait3A_35 : memref<1x512xf32, #tpu.memory_space<vmem>> -> memref<512xf32, #tpu.memory_space<vmem>>
      %dma_wait3A_37 = arith.constant 0 : i32
      %dma_wait3A_38 = tpu.memref_slice %arg3[%dma_wait3A_37] : memref<1000001xf32, #tpu.memory_space<hbm>> -> memref<512xf32, #tpu.memory_space<hbm>>
      tpu.wait_dma2 semaphore(%arg11 : memref<!tpu.dma_semaphore, #tpu.memory_space<semaphore_mem>>) src(%dma_wait3A_38 : memref<512xf32, #tpu.memory_space<hbm>>) dst(%dma_wait3A_36 : memref<512xf32, #tpu.memory_space<vmem>>)
    }
    %scan3A_21 = arith.constant 26 : i32
    %get3A = arith.constant 0 : index
    %get3A_22 = tpu.vector_load %arg9[%get3A] {strides = array<i32>} : memref<16xf32, #tpu.memory_space<vmem>>, vector<16xf32>,
    %get3A_23 = vector.shape_cast %get3A_22 : vector<16xf32> to vector<16xf32>
    %scan3A_24 = arith.constant 0 : i32
    %scan3A_25 = arith.constant 32 : i32
    %scan3A_26 = arith.addi %scan3A_24, %scan3A_25 : i32
    %scan3A_27 = arith.constant 1 : i32
    scf.for %scan3A_29 = %scan3A_24 to %scan3A_26 step %scan3A_27  : i32 {
      %mul3A_30 = arith.constant 16 : i32
      %mul3A_31 = arith.muli %scan3A_29, %mul3A_30 : i32
      %get3A_32 = arith.constant 0 : i32
      %get3A_33 = arith.index_cast %get3A_32 : i32 to index
      %get3A_34 = arith.index_cast %mul3A_31 : i32 to index
      %get3A_35 = tpu.vector_load %arg7[%get3A_33, %get3A_34] {strides = array<i32>} : memref<26x512xf32, #tpu.memory_space<vmem>>, vector<1x16xf32>,
      %get3A_36 = vector.shape_cast %get3A_35 : vector<1x16xf32> to vector<16xf32>
      %add3A_37 = arith.addf %get3A_23, %get3A_36 : vector<16xf32>
      %get3A_38 = arith.constant 1 : i32
      %get3A_39 = arith.index_cast %get3A_38 : i32 to index
      %get3A_40 = arith.index_cast %mul3A_31 : i32 to index
      %get3A_41 = tpu.vector_load %arg7[%get3A_39, %get3A_40] {strides = array<i32>} : memref<26x512xf32, #tpu.memory_space<vmem>>, vector<1x16xf32>,
      %get3A_42 = vector.shape_cast %get3A_41 : vector<1x16xf32> to vector<16xf32>
      %add3A_43 = arith.addf %add3A_37, %get3A_42 : vector<16xf32>
      %get3A_44 = arith.constant 2 : i32
      %get3A_45 = arith.index_cast %get3A_44 : i32 to index
      %get3A_46 = arith.index_cast %mul3A_31 : i32 to index
      %get3A_47 = tpu.vector_load %arg7[%get3A_45, %get3A_46] {strides = array<i32>} : memref<26x512xf32, #tpu.memory_space<vmem>>, vector<1x16xf32>,
      %get3A_48 = vector.shape_cast %get3A_47 : vector<1x16xf32> to vector<16xf32>
      %add3A_49 = arith.addf %add3A_43, %get3A_48 : vector<16xf32>
      %get3A_50 = arith.constant 3 : i32
      %get3A_51 = arith.index_cast %get3A_50 : i32 to index
      %get3A_52 = arith.index_cast %mul3A_31 : i32 to index
      %get3A_53 = tpu.vector_load %arg7[%get3A_51, %get3A_52] {strides = array<i32>} : memref<26x512xf32, #tpu.memory_space<vmem>>, vector<1x16xf32>,
      %get3A_54 = vector.shape_cast %get3A_53 : vector<1x16xf32> to vector<16xf32>
      %add3A_55 = arith.addf %add3A_49, %get3A_54 : vector<16xf32>
      %get3A_56 = arith.constant 4 : i32
      %get3A_57 = arith.index_cast %get3A_56 : i32 to index
      %get3A_58 = arith.index_cast %mul3A_31 : i32 to index
      %get3A_59 = tpu.vector_load %arg7[%get3A_57, %get3A_58] {strides = array<i32>} : memref<26x512xf32, #tpu.memory_space<vmem>>, vector<1x16xf32>,
      %get3A_60 = vector.shape_cast %get3A_59 : vector<1x16xf32> to vector<16xf32>
      %add3A_61 = arith.addf %add3A_55, %get3A_60 : vector<16xf32>
      %get3A_62 = arith.constant 5 : i32
      %get3A_63 = arith.index_cast %get3A_62 : i32 to index
      %get3A_64 = arith.index_cast %mul3A_31 : i32 to index
      %get3A_65 = tpu.vector_load %arg7[%get3A_63, %get3A_64] {strides = array<i32>} : memref<26x512xf32, #tpu.memory_space<vmem>>, vector<1x16xf32>,
      %get3A_66 = vector.shape_cast %get3A_65 : vector<1x16xf32> to vector<16xf32>
      %add3A_67 = arith.addf %add3A_61, %get3A_66 : vector<16xf32>
      %get3A_68 = arith.constant 6 : i32
      %get3A_69 = arith.index_cast %get3A_68 : i32 to index
      %get3A_70 = arith.index_cast %mul3A_31 : i32 to index
      %get3A_71 = tpu.vector_load %arg7[%get3A_69, %get3A_70] {strides = array<i32>} : memref<26x512xf32, #tpu.memory_space<vmem>>, vector<1x16xf32>,
      %get3A_72 = vector.shape_cast %get3A_71 : vector<1x16xf32> to vector<16xf32>
      %add3A_73 = arith.addf %add3A_67, %get3A_72 : vector<16xf32>
      %get3A_74 = arith.constant 7 : i32
      %get3A_75 = arith.index_cast %get3A_74 : i32 to index
      %get3A_76 = arith.index_cast %mul3A_31 : i32 to index
      %get3A_77 = tpu.vector_load %arg7[%get3A_75, %get3A_76] {strides = array<i32>} : memref<26x512xf32, #tpu.memory_space<vmem>>, vector<1x16xf32>,
      %get3A_78 = vector.shape_cast %get3A_77 : vector<1x16xf32> to vector<16xf32>
      %add3A_79 = arith.addf %add3A_73, %get3A_78 : vector<16xf32>
      %get3A_80 = arith.constant 8 : i32
      %get3A_81 = arith.index_cast %get3A_80 : i32 to index
      %get3A_82 = arith.index_cast %mul3A_31 : i32 to index
      %get3A_83 = tpu.vector_load %arg7[%get3A_81, %get3A_82] {strides = array<i32>} : memref<26x512xf32, #tpu.memory_space<vmem>>, vector<1x16xf32>,
      %get3A_84 = vector.shape_cast %get3A_83 : vector<1x16xf32> to vector<16xf32>
      %add3A_85 = arith.addf %add3A_79, %get3A_84 : vector<16xf32>
      %get3A_86 = arith.constant 9 : i32
      %get3A_87 = arith.index_cast %get3A_86 : i32 to index
      %get3A_88 = arith.index_cast %mul3A_31 : i32 to index
      %get3A_89 = tpu.vector_load %arg7[%get3A_87, %get3A_88] {strides = array<i32>} : memref<26x512xf32, #tpu.memory_space<vmem>>, vector<1x16xf32>,
      %get3A_90 = vector.shape_cast %get3A_89 : vector<1x16xf32> to vector<16xf32>
      %add3A_91 = arith.addf %add3A_85, %get3A_90 : vector<16xf32>
      %get3A_92 = arith.constant 10 : i32
      %get3A_93 = arith.index_cast %get3A_92 : i32 to index
      %get3A_94 = arith.index_cast %mul3A_31 : i32 to index
      %get3A_95 = tpu.vector_load %arg7[%get3A_93, %get3A_94] {strides = array<i32>} : memref<26x512xf32, #tpu.memory_space<vmem>>, vector<1x16xf32>,
      %get3A_96 = vector.shape_cast %get3A_95 : vector<1x16xf32> to vector<16xf32>
      %add3A_97 = arith.addf %add3A_91, %get3A_96 : vector<16xf32>
      %get3A_98 = arith.constant 11 : i32
      %get3A_99 = arith.index_cast %get3A_98 : i32 to index
      %get3A_100 = arith.index_cast %mul3A_31 : i32 to index
      %get3A_101 = tpu.vector_load %arg7[%get3A_99, %get3A_100] {strides = array<i32>} : memref<26x512xf32, #tpu.memory_space<vmem>>, vector<1x16xf32>,
      %get3A_102 = vector.shape_cast %get3A_101 : vector<1x16xf32> to vector<16xf32>
      %add3A_103 = arith.addf %add3A_97, %get3A_102 : vector<16xf32>
      %get3A_104 = arith.constant 12 : i32
      %get3A_105 = arith.index_cast %get3A_104 : i32 to index
      %get3A_106 = arith.index_cast %mul3A_31 : i32 to index
      %get3A_107 = tpu.vector_load %arg7[%get3A_105, %get3A_106] {strides = array<i32>} : memref<26x512xf32, #tpu.memory_space<vmem>>, vector<1x16xf32>,
      %get3A_108 = vector.shape_cast %get3A_107 : vector<1x16xf32> to vector<16xf32>
      %add3A_109 = arith.addf %add3A_103, %get3A_108 : vector<16xf32>
      %get3A_110 = arith.constant 13 : i32
      %get3A_111 = arith.index_cast %get3A_110 : i32 to index
      %get3A_112 = arith.index_cast %mul3A_31 : i32 to index
      %get3A_113 = tpu.vector_load %arg7[%get3A_111, %get3A_112] {strides = array<i32>} : memref<26x512xf32, #tpu.memory_space<vmem>>, vector<1x16xf32>,
      %get3A_114 = vector.shape_cast %get3A_113 : vector<1x16xf32> to vector<16xf32>
      %add3A_115 = arith.addf %add3A_109, %get3A_114 : vector<16xf32>
      %get3A_116 = arith.constant 14 : i32
      %get3A_117 = arith.index_cast %get3A_116 : i32 to index
      %get3A_118 = arith.index_cast %mul3A_31 : i32 to index
      %get3A_119 = tpu.vector_load %arg7[%get3A_117, %get3A_118] {strides = array<i32>} : memref<26x512xf32, #tpu.memory_space<vmem>>, vector<1x16xf32>,
      %get3A_120 = vector.shape_cast %get3A_119 : vector<1x16xf32> to vector<16xf32>
      %add3A_121 = arith.addf %add3A_115, %get3A_120 : vector<16xf32>
      %get3A_122 = arith.constant 15 : i32
      %get3A_123 = arith.index_cast %get3A_122 : i32 to index
      %get3A_124 = arith.index_cast %mul3A_31 : i32 to index
      %get3A_125 = tpu.vector_load %arg7[%get3A_123, %get3A_124] {strides = array<i32>} : memref<26x512xf32, #tpu.memory_space<vmem>>, vector<1x16xf32>,
      %get3A_126 = vector.shape_cast %get3A_125 : vector<1x16xf32> to vector<16xf32>
      %add3A_127 = arith.addf %add3A_121, %get3A_126 : vector<16xf32>
      %get3A_128 = arith.constant 16 : i32
      %get3A_129 = arith.index_cast %get3A_128 : i32 to index
      %get3A_130 = arith.index_cast %mul3A_31 : i32 to index
      %get3A_131 = tpu.vector_load %arg7[%get3A_129, %get3A_130] {strides = array<i32>} : memref<26x512xf32, #tpu.memory_space<vmem>>, vector<1x16xf32>,
      %get3A_132 = vector.shape_cast %get3A_131 : vector<1x16xf32> to vector<16xf32>
      %add3A_133 = arith.addf %add3A_127, %get3A_132 : vector<16xf32>
      %get3A_134 = arith.constant 17 : i32
      %get3A_135 = arith.index_cast %get3A_134 : i32 to index
      %get3A_136 = arith.index_cast %mul3A_31 : i32 to index
      %get3A_137 = tpu.vector_load %arg7[%get3A_135, %get3A_136] {strides = array<i32>} : memref<26x512xf32, #tpu.memory_space<vmem>>, vector<1x16xf32>,
      %get3A_138 = vector.shape_cast %get3A_137 : vector<1x16xf32> to vector<16xf32>
      %add3A_139 = arith.addf %add3A_133, %get3A_138 : vector<16xf32>
      %get3A_140 = arith.constant 18 : i32
      %get3A_141 = arith.index_cast %get3A_140 : i32 to index
      %get3A_142 = arith.index_cast %mul3A_31 : i32 to index
      %get3A_143 = tpu.vector_load %arg7[%get3A_141, %get3A_142] {strides = array<i32>} : memref<26x512xf32, #tpu.memory_space<vmem>>, vector<1x16xf32>,
      %get3A_144 = vector.shape_cast %get3A_143 : vector<1x16xf32> to vector<16xf32>
      %add3A_145 = arith.addf %add3A_139, %get3A_144 : vector<16xf32>
      %get3A_146 = arith.constant 19 : i32
      %get3A_147 = arith.index_cast %get3A_146 : i32 to index
      %get3A_148 = arith.index_cast %mul3A_31 : i32 to index
      %get3A_149 = tpu.vector_load %arg7[%get3A_147, %get3A_148] {strides = array<i32>} : memref<26x512xf32, #tpu.memory_space<vmem>>, vector<1x16xf32>,
      %get3A_150 = vector.shape_cast %get3A_149 : vector<1x16xf32> to vector<16xf32>
      %add3A_151 = arith.addf %add3A_145, %get3A_150 : vector<16xf32>
      %get3A_152 = arith.constant 20 : i32
      %get3A_153 = arith.index_cast %get3A_152 : i32 to index
      %get3A_154 = arith.index_cast %mul3A_31 : i32 to index
      %get3A_155 = tpu.vector_load %arg7[%get3A_153, %get3A_154] {strides = array<i32>} : memref<26x512xf32, #tpu.memory_space<vmem>>, vector<1x16xf32>,
      %get3A_156 = vector.shape_cast %get3A_155 : vector<1x16xf32> to vector<16xf32>
      %add3A_157 = arith.addf %add3A_151, %get3A_156 : vector<16xf32>
      %get3A_158 = arith.constant 21 : i32
      %get3A_159 = arith.index_cast %get3A_158 : i32 to index
      %get3A_160 = arith.index_cast %mul3A_31 : i32 to index
      %get3A_161 = tpu.vector_load %arg7[%get3A_159, %get3A_160] {strides = array<i32>} : memref<26x512xf32, #tpu.memory_space<vmem>>, vector<1x16xf32>,
      %get3A_162 = vector.shape_cast %get3A_161 : vector<1x16xf32> to vector<16xf32>
      %add3A_163 = arith.addf %add3A_157, %get3A_162 : vector<16xf32>
      %get3A_164 = arith.constant 22 : i32
      %get3A_165 = arith.index_cast %get3A_164 : i32 to index
      %get3A_166 = arith.index_cast %mul3A_31 : i32 to index
      %get3A_167 = tpu.vector_load %arg7[%get3A_165, %get3A_166] {strides = array<i32>} : memref<26x512xf32, #tpu.memory_space<vmem>>, vector<1x16xf32>,
      %get3A_168 = vector.shape_cast %get3A_167 : vector<1x16xf32> to vector<16xf32>
      %add3A_169 = arith.addf %add3A_163, %get3A_168 : vector<16xf32>
      %get3A_170 = arith.constant 23 : i32
      %get3A_171 = arith.index_cast %get3A_170 : i32 to index
      %get3A_172 = arith.index_cast %mul3A_31 : i32 to index
      %get3A_173 = tpu.vector_load %arg7[%get3A_171, %get3A_172] {strides = array<i32>} : memref<26x512xf32, #tpu.memory_space<vmem>>, vector<1x16xf32>,
      %get3A_174 = vector.shape_cast %get3A_173 : vector<1x16xf32> to vector<16xf32>
      %add3A_175 = arith.addf %add3A_169, %get3A_174 : vector<16xf32>
      %get3A_176 = arith.constant 24 : i32
      %get3A_177 = arith.index_cast %get3A_176 : i32 to index
      %get3A_178 = arith.index_cast %mul3A_31 : i32 to index
      %get3A_179 = tpu.vector_load %arg7[%get3A_177, %get3A_178] {strides = array<i32>} : memref<26x512xf32, #tpu.memory_space<vmem>>, vector<1x16xf32>,
      %get3A_180 = vector.shape_cast %get3A_179 : vector<1x16xf32> to vector<16xf32>
      %add3A_181 = arith.addf %add3A_175, %get3A_180 : vector<16xf32>
      %get3A_182 = arith.constant 25 : i32
      %get3A_183 = arith.index_cast %get3A_182 : i32 to index
      %get3A_184 = arith.index_cast %mul3A_31 : i32 to index
      %get3A_185 = tpu.vector_load %arg7[%get3A_183, %get3A_184] {strides = array<i32>} : memref<26x512xf32, #tpu.memory_space<vmem>>, vector<1x16xf32>,
      %get3A_186 = vector.shape_cast %get3A_185 : vector<1x16xf32> to vector<16xf32>
      %add3A_187 = arith.addf %add3A_181, %get3A_186 : vector<16xf32>
      %swap3A = arith.index_cast %mul3A_31 : i32 to index
      %swap3A_188 = tpu.vector_load %arg8[%swap3A] {strides = array<i32>} : memref<512xf32, #tpu.memory_space<vmem>>, vector<16xf32>,
      %swap3A_189 = vector.shape_cast %swap3A_188 : vector<16xf32> to vector<16xf32>
      %swap3A_190 = vector.shape_cast %add3A_187 : vector<16xf32> to vector<16xf32>
      tpu.vector_store %arg8[%swap3A], %swap3A_190 {strides = array<i32>} : memref<512xf32, #tpu.memory_space<vmem>>, vector<16xf32>,
    }
    %scan3A_28 = arith.constant 32 : i32
    "tpu.region"() ({
      %run_scoped3A = tpu.sem_alloc : memref<!tpu.dma_semaphore, #tpu.memory_space<semaphore_mem>>
      %dma_start3A = tpu.memref_slice %arg5[%mul3A_2] : memref<16384xf32, #tpu.memory_space<hbm>> -> memref<512xf32, #tpu.memory_space<hbm>>
      %dma_start3A_29 = tpu.memref_slice %arg5[%mul3A_2] : memref<16384xf32, #tpu.memory_space<hbm>> -> memref<512xf32, #tpu.memory_space<hbm>>
      tpu.enqueue_dma source(%arg8 : memref<512xf32, #tpu.memory_space<vmem>>) target(%dma_start3A_29 : memref<512xf32, #tpu.memory_space<hbm>>) target_semaphore(%run_scoped3A : memref<!tpu.dma_semaphore, #tpu.memory_space<semaphore_mem>>)
      %dma_wait3A = tpu.memref_slice %arg5[%mul3A_2] : memref<16384xf32, #tpu.memory_space<hbm>> -> memref<512xf32, #tpu.memory_space<hbm>>
      %dma_wait3A_30 = tpu.memref_slice %arg5[%mul3A_2] : memref<16384xf32, #tpu.memory_space<hbm>> -> memref<512xf32, #tpu.memory_space<hbm>>
      tpu.wait_dma2 semaphore(%run_scoped3A : memref<!tpu.dma_semaphore, #tpu.memory_space<semaphore_mem>>) src(%arg8 : memref<512xf32, #tpu.memory_space<vmem>>) dst(%dma_wait3A_30 : memref<512xf32, #tpu.memory_space<hbm>>)
      tpu.yield
    }) : () -> ()
    return
  }
}

</mosaic_0001>

<sc_bundles>
// kernel: kernel.3.cloned.1.call-start
scs
__scs_entry_jumppad:
0x0: {  	(pc) =	sbr.rel $0x88, $3  }
0x1: {  	(tag) =	ssettag $0x0;
	lr =	simm.s32 $0x1  }
0x2: {  	[smem:$0x3F9E] =	sst lr;
	_ =	strace $0xD0000000  }
0x3: {  	_ = 	snop  }
0x4: {  	_ = 	snop  }
0x5: {  	_ = 	snop  }
0x6: {  	_ = 	snop  }
0x7: {  	_ = 	snop  }
__scs_overlays_trampoline_lowered:
0x8: {  	[smem:$0x3FAD] =	sst s0  }
0x9: {  	[smem:$0x3FAE] =	sst s1  }
0xa: {  	[smem:$0x3FAF] =	sst s2  }
0xb: {  	[smem:$0x3FB0] =	sst s3  }
0xc: {  	[smem:$0x3FB1] =	sst s4  }
0xd: {  	[smem:$0x3FB2] =	sst s5  }
0xe: {  	[smem:$0x3FB3] =	sst s6  }
0xf: {  	[smem:$0x3FB4] =	sst s7  }
0x10: {  	[smem:$0x3FB5] =	sst s8  }
0x11: {  	[smem:$0x3FB6] =	sst s9;
	s0 =	simm.s32 @!p0 $0x0  }
0x12: {  	s1 =	sld [smem:$0x3F9C];
	s0 =	simm.s32 @p0 $0x1  }
0x13: {  	[smem:$0x3FB7] =	sst s0;
	s0 =	simm.s32 @!p1 $0x0  }
0x14: {  	s2 =	sld [smem:$0x3F9B];
	s0 =	simm.s32 @p1 $0x1  }
0x15: {  	[smem:$0x3FB8] =	sst s0;
	s0 =	simm.s32 @!p2 $0x0  }
0x16: {  	s3 =	sld [smem:$0x3FDB];
	s0 =	simm.s32 @p2 $0x1  }
0x17: {  	s4 =	simm.s32 $0x1BF5;
	[smem:$0x3FBA] =	sst s0  }
0x18: {  	s0 =	sld [smem:$0x3F9D];
	_ =	swait.ge [sflag:s4], $0x0  }
0x19: {  	s7 =	sld [smem:$0x3F9E]  }
0x1a: {  	s8 =	sadd.s32 $0xFFFFE003, lr  }
0x1b: {  	s9 =	sadd.s32 $0xFFFFFEF7, lr;
	s5 =	simm.s32 $0xFFFFFFFF;
	p2 =	slt.u32 s8, $0xFFFFF086  }
0x1c: {  	p1 =	slt.u32 s9, $0xF7A;
	s5 =	simm.s32 @!p2 $0x0  }
0x1d: {  	s5 =	simm.s32 @p1 $0x1;
	p0 =	seq.s32 s7, s2  }
0x1e: {  	s7 =	smul.u32 @!p0 $0xF7A, s2;
	p2 =	seq.s32 @!p0 s5, $0x0  }
0x1f: {  	s9 =	smul.u32 $0xF7A, s1;
	s8 =	simm.s32 @!p0 $0x1BF5;
	p2 =	por !p2, p0  }
0x20: {  	[sflag:s8] =	ssyncset.s32 @!p0 $0xFFFFF086;
	s6 =	sadd.s32 @!p0 s3, s7;
	s7 =	simm.s32 @!p0 $0x108  }
0x21: {  	s3 =	sadd.s32 s3, s9;
	s6 =	sadd.s32 @!p0 $0x88, s6;
	s7 =	simm.s32 @p2 $0x1082  }
0x22: {  	[simem:s7], [sflag:s8] =	dma.local @!p0 [hbm:s6], $0xF7A  }
0x23: {  	s9 =	sor.u32 $0xD0000000, s2;
	s6 =	simm.s32 $0x108;
	_ =	swait.ge @!p0 [sflag:s8], $0x0  }
0x24: {  	s3 =	sadd.s32 $0x88, s3;
	s6 =	simm.s32 @!p1 $0x1082;
	[sflag:s4] =	ssyncset.s32 $0xFFFFF086  }
0x25: {  	[simem:s6], [sflag:s4] =	dma.local [hbm:s3], $0xF7A  }
0x26: {  	[smem:$0x3F9E] =	sst s1;
	(tag) =	ssettag s2;
	_ =	strace s9  }
0x27: {  	s1 =	sld [smem:$0x3FAE]  }
0x28: {  	s2 =	sld [smem:$0x3FAF]  }
0x29: {  	s4 =	sld [smem:$0x3FB1]  }
0x2a: {  	p0 =	seq.s32 s5, $0x0;
	s5 =	sld [smem:$0x3FB2]  }
0x2b: {  	s6 =	sld [smem:$0x3FB3]  }
0x2c: {  	s7 =	sld [smem:$0x3FB4]  }
0x2d: {  	s3 =	simm.s32 $0x108;
	s8 =	sld [smem:$0x3FB5]  }
0x2e: {  	s3 =	simm.s32 @!p0 $0x1082;
	s9 =	sld [smem:$0x3FB6]  }
0x2f: {  	lr =	sadd.s32 s0, s3;
	s0 =	sld [smem:$0x3FAD]  }
0x30: {  	s3 =	sld [smem:$0x3FB0]  }
0x31: {  	[smem:$0x3FB9] =	sst s10  }
0x32: {  	s10 =	sld [smem:$0x3FB7];
	_ =	sdelay $0x3  }
0x33: {  	p0 =	seq.s32 s10, $0x1;
	s10 =	sld [smem:$0x3FB9];
	_ =	sdelay $0x3  }
0x34: {  	[smem:$0x3FB9] =	sst s10  }
0x35: {  	s10 =	sld [smem:$0x3FB8];
	_ =	sdelay $0x3  }
0x36: {  	p1 =	seq.s32 s10, $0x1;
	s10 =	sld [smem:$0x3FB9];
	_ =	sdelay $0x3  }
0x37: {  	[smem:$0x3FB9] =	sst s10  }
0x38: {  	s10 =	sld [smem:$0x3FBA]  }
0x39: {  	_ = 	snop;
	(pc) =	sbr.ind lr, $3  }
0x3a: {  	_ = 	snop  }
0x3b: {  	_ = 	snop  }
0x3c: {  	p2 =	seq.s32 s10, $0x1;
	s10 =	sld [smem:$0x3FB9]  }
0x3d: {  	_ =	shalt  }
0x3e: {  	_ =	shalt  }
0x3f: {  	_ =	shalt  }
0x40: {  	_ =	shalt  }
0x41: {  	_ =	shalt  }
0x42: {  	_ =	shalt  }
0x43: {  	_ =	shalt  }
0x44: {  	_ =	shalt  }
0x45: {  	_ =	shalt  }
0x46: {  	_ =	shalt  }
0x47: {  	_ =	shalt  }
0x48: {  	_ =	shalt  }
0x49: {  	_ =	shalt  }
0x4a: {  	_ =	shalt  }
0x4b: {  	_ =	shalt  }
0x4c: {  	_ =	shalt  }
0x4d: {  	_ =	shalt  }
0x4e: {  	_ =	shalt  }
0x4f: {  	_ =	shalt  }
0x50: {  	_ =	shalt  }
0x51: {  	_ =	shalt  }
0x52: {  	_ =	shalt  }
0x53: {  	_ =	shalt  }
0x54: {  	_ =	shalt  }
0x55: {  	_ =	shalt  }
0x56: {  	_ =	shalt  }
0x57: {  	_ =	shalt  }
0x58: {  	_ =	shalt  }
0x59: {  	_ =	shalt  }
0x5a: {  	_ =	shalt  }
0x5b: {  	_ =	shalt  }
0x5c: {  	_ =	shalt  }
0x5d: {  	_ =	shalt  }
0x5e: {  	_ =	shalt  }
0x5f: {  	_ =	shalt  }
0x60: {  	_ =	shalt  }
0x61: {  	_ =	shalt  }
0x62: {  	_ =	shalt  }
0x63: {  	_ =	shalt  }
0x64: {  	_ =	shalt  }
0x65: {  	_ =	shalt  }
0x66: {  	_ =	shalt  }
0x67: {  	_ =	shalt  }
0x68: {  	_ =	shalt  }
0x69: {  	_ =	shalt  }
0x6a: {  	_ =	shalt  }
0x6b: {  	_ =	shalt  }
0x6c: {  	_ =	shalt  }
0x6d: {  	_ =	shalt  }
0x6e: {  	_ =	shalt  }
0x6f: {  	_ =	shalt  }
0x70: {  	_ =	shalt  }
0x71: {  	_ =	shalt  }
0x72: {  	_ =	shalt  }
0x73: {  	_ =	shalt  }
0x74: {  	_ =	shalt  }
0x75: {  	_ =	shalt  }
0x76: {  	_ =	shalt  }
0x77: {  	_ =	shalt  }
0x78: {  	_ =	shalt  }
0x79: {  	_ =	shalt  }
0x7a: {  	_ =	shalt  }
0x7b: {  	_ =	shalt  }
0x7c: {  	_ =	shalt  }
0x7d: {  	_ =	shalt  }
0x7e: {  	_ =	shalt  }
0x7f: {  	_ =	shalt  }
0x80: {  	_ =	shalt  }
0x81: {  	_ =	shalt  }
0x82: {  	_ =	shalt  }
0x83: {  	_ =	shalt  }
0x84: {  	_ =	shalt  }
0x85: {  	_ =	shalt  }
0x86: {  	_ =	shalt  }
0x87: {  	_ =	shalt  }
.Lfunc_end0:
.L_simem_size_0:
called_computation_lowered:
.L_overlay_start_0:
0x88: {  	s2 =	sld [smem:$0x3FD9]  }
0x89: {  	s3 =	sld [smem:$0x3FFE];
	_ =	sdelay $0x1  }
0x8a: {  	s1 =	srdreg.scid  }
0x8b: {  	s0 =	sand.u32 $0x1, s1  }
0x8c: {  	s17 =	sshll.u32 s0, $0xA;
	s2 =	sadd.s32 s3, s2  }
0x8d: {  	s2 =	sadd.s32 s2, s17  }
0x8e: {  	[smem:$0x3FC5] =	sst s2  }
0x8f: {  	_ = 	snop  }
0x90: {  	s2 =	sld [smem:$0x3FD0];
	(tm) =	ssettm $0x1  }
0x91: {  	s18 =	sld [smem:$0x3FFB];
	_ =	sdelay $0x3  }
0x92: {  	_ =	strace s18  }
0x93: {  	s3 =	sld [smem:$0x3FFC];
	_ =	sdelay $0x3  }
0x94: {  	_ =	strace s3  }
0x95: {  	s3 =	sld [smem:$0x3FFD];
	_ =	sdelay $0x3  }
0x96: {  	_ =	strace s3  }
0x97: {  	_ =	strace $0x8FFFFFFF  }
0x98: {  	s19 =	sld [smem:$0x3FDB];
	_ =	sdelay $0x1  }
0x99: {  	s4 =	simm.s32 $_scs_section_size  }
0x9a: {  	s5 =	simm.s32 $_size__tile_overlayer_lowered;
	s6 =	simm.s32 $_tile_overlayer_lowered  }
0x9b: {  	s22 =	simm.s32 $0x1BFF;
	s21 =	sshll.u32 s6, $0x1;
	s3 =	sadd.s32 s4, s19  }
0x9c: {  	s7 =	simm.s32 $0x0;
	s20 =	sshll.u32 s5, $0x1;
	s5 =	sadd.s32 s21, s3  }
0x9d: {  	[timem:s7], [sflag:s22] =	dma.local [hbm:s5], s20  }
0x9e: {  	_ =	swait.ge [sflag:s22], s20  }
0x9f: {  	s4 =	ssub.s32 $0x0, s20;
	[sflag:s22] =	ssyncset.done $0x0  }
0xa0: {  	[sflag:s22] =	ssyncadd.s32 s4;
	_ =	sdelay $0x1  }
0xa1: {  	s23 =	simm.s32 $0x1B8B  }
0xa2: {  	_ =	swait.ge [sflag:s23], $0x1  }
0xa3: {  	[sflag:s23] =	ssyncset.done $0x0  }
0xa4: {  	s25 =	simm.s32 $0x1B8E;
	s24 =	sld [smem:$0x3FFE];
	[sflag:s23] =	ssyncadd.s32 $0xFFFFFFFF  }
0xa5: {  	s26 =	simm.s32 $execute0_lowered;
	[smem:$0x3FD2] =	sst s25  }
0xa6: {  	s5 =	sshll.u32 s26, $0x1;
	_ =	strace $0x80000046;
	[dreg:$0x1] =	wrdreg $0xFFFFFFFF  }
0xa7: {  	s28 =	simm.s32 $_size_execute0_lowered;
	s3 =	sadd.s32 s3, s5;
	[dreg:$0x0] =	wrdreg $0x0  }
0xa8: {  	s5 =	sshll.u32 s28, $0x1;
	[dreg:$0x2] =	wrdreg s3  }
0xa9: {  	[dreg:$0x3] =	wrdreg s5  }
0xaa: {  	[dreg:$0x4] =	wrdreg $0xC0  }
0xab: {  	_ =	task [dreg:s7], $0x5FFFF  }
0xac: {  	[dreg:$0x1] =	wrdreg $0xFFFFFFFF  }
0xad: {  	[dreg:$0x0] =	wrdreg $0x60  }
0xae: {  	[dreg:$0x2] =	wrdreg s24  }
0xaf: {  	[dreg:$0x3] =	wrdreg s2  }
0xb0: {  	[dreg:$0x4] =	wrdreg $0x9  }
0xb1: {  	_ =	task.clear_ibuf [dreg:s7], $0x5FFFF;
	_ =	strace $0x90000046  }
0xb2: {  	s29 =	simm.s32 $0x9;
	_ =	strace $0x80000048  }
0xb3: {  	_ =	swait.ge [sflag:s29], $0x1  }
0xb4: {  	[sflag:s29] =	ssyncadd.s32 $0xFFFFFFFF  }
0xb5: {  	_ =	strace $0x90000048  }
0xb6: {  	_ =	sfence  }
0xb7: {  	s30 =	sld [smem:$0x0];
	_ =	sdelay $0x2  }
0xb8: {  	s31 =	sshll.u32 s1, $0xD;
	s1 =	sshrl.u32 s1, $0x2  }
0xb9: {  	s3 =	sand.u32 $0x4000, s31;
	s1 =	sadd.s32 s1, s30  }
0xba: {  	s0 =	sor.u32 s3, s0;
	s1 =	sshll.u32 s1, $0x11  }
0xbb: {  	s0 =	sor.u32 s1, s0  }
0xbc: {  	s0 =	sadd.s32 $0x8F2B, s0  }
0xbd: {  	[sflag:s0] =	ssyncadd.remote.s32 $0x1  }
0xbe: {  	_ =	sfence.sel $0xFFFF  }
0xbf: {  	[dreg:$0x0] =	wrdreg $0xFFFFFFFF;
	(pc) =	sbr.abs _section_cstart, $3  }
0xc0: {  	[dreg:$0x1] =	wrdreg $0xFFFFFFFF  }
0xc1: {  	_ =	task.clear_ibuf [dreg:s7], $0x2FFFF;
	_ =	strace $0x9FFFFFFF  }
0xc2: {  	(tm) =	ssettm $0x7FFFFFFF  }
0xc3: {  	_ =	shalt  }
tec
execute0_lowered:
.L_overlay_start_1:
0x0: {  	(tag) =	ssettag $0x1  }
0x1: {  	s7 =	rddreg [dreg:$0x0]  }
0x2: {  	s5 =	rddreg [dreg:$0x1]  }
0x3: {  	s0 =	rddreg [dreg:$0x2];
	s3 =	srdreg.scid  }
0x4: {  	s2 =	simm.s32 $0x0;
	s1 =	stileid.u32;
	s10 =	simm.s32 $0x1  }
0x5: {  	s11 =	simm.s32 $0x80;
	s12 =	simm.s32 $0x2;
	s13 =	simm.s32 $0x8000  }
0x6: {  	s14 =	simm.s32 $0x0;
	s3 =	sand.u32 $0x1, s3;
	[smem:$0x7FF] =	sst s2  }
0x7: {  	s4 =	sshll.u32 s1, $0xA;
	s6 =	sshll.u32 s3, $0x9;
	_ =	strace $0x80000047  }
0x8: {  	s8 =	ssub.s32 $0x2, s3;
	s3 =	sadd.s32 $0xD000, s7;
	s4 =	sor.u32 s6, s4  }
0x9: {  	s31 =	sshrl.u32 s8, $0x1;
	s9 =	sshrl.u32 s4, $0x3;
	s4 =	sadd.s32 $0x2BA00, s7  }
0xa: {  	s6 =	ssub.s32 s8, s31;
	s8 =	simm.s32 $0x8200;
	s5 =	sadd.s32 s5, s9  }
0xb: {  	s6 =	smax.u32 s6, $0x1;
	s7 =	sadd.s32 s9, s7;
	s9 =	simm.s32 $0x3  }
.LBB2_1:
0xc: {  	[tilespmem:s8], [sflag:$0x3] =	stream.linear.gather [hbm4b:s4+s2], $0x80, $0x38;
	[tilespmem:$0x8280] =	vst v63  }
0xd: {  	_ =	swait.ge [sflag:s9], $0x80  }
0xe: {  	s15 =	sand.u32 $0x3000, s2;
	s16 =	sand.u32 $0x380, s2;
	[sflag:s9] =	ssyncset.done $0x0  }
0xf: {  	s15 =	sor.u32 s16, s15;
	[sflag:s9] =	ssyncadd.s32 $0xFFFFFF80  }
0x10: {  	[tilespmem:s15], [sflag:$0x1] =	stream.linear.gather [hbm4b:s7+s2], $0x80, $0x38;
	[tilespmem:$0x8280] =	vst v63  }
0x11: {  	s26 =	sadd.s32 $0x10, s7;
	s17 =	sor.u32 $0x400, s15  }
0x12: {  	[tilespmem:s17], [sflag:$0x1] =	stream.linear.gather [hbm4b:s26+s2], $0x80, $0x38;
	[tilespmem:$0x8280] =	vst v63  }
0x13: {  	s28 =	sadd.s32 $0x20, s7;
	s29 =	sor.u32 $0x800, s15  }
0x14: {  	[tilespmem:s29], [sflag:$0x1] =	stream.linear.gather [hbm4b:s28+s2], $0x80, $0x38;
	[tilespmem:$0x8280] =	vst v63  }
0x15: {  	s30 =	sadd.s32 $0x30, s7;
	s31 =	simm.s32 $0x200;
	s15 =	sor.u32 $0xC00, s15  }
0x16: {  	[tilespmem:s15], [sflag:$0x1] =	stream.linear.gather [hbm4b:s30+s2], $0x80, $0x38;
	[tilespmem:$0x8280] =	vst v63  }
0x17: {  	s18 =	sand.u32 $0x3000, s31;
	s15 =	simm.s32 $0x80  }
0x18: {  	s16 =	smov.u32 s7;
	s17 =	simm.s32 $0x400;
	s19 =	sand.u32 $0x380, s15  }
.LBB2_2:
0x19: {  	p0 =	sne.s32 s17, $0x3200;
	s18 =	sor.u32 s19, s18;
	s16 =	sadd.s32 $0x800, s16  }
0x1a: {  	[tilespmem:s18], [sflag:$0x1] =	stream.linear.gather [hbm4b:s16+s2], $0x80, $0x38;
	[tilespmem:$0x8280] =	vst v63  }
0x1b: {  	s19 =	sadd.s32 $0x10, s16;
	s20 =	sor.u32 $0x400, s18  }
0x1c: {  	[tilespmem:s20], [sflag:$0x1] =	stream.linear.gather [hbm4b:s19+s2], $0x80, $0x38;
	[tilespmem:$0x8280] =	vst v63  }
.Ltmp0:
0x1d: {  	s19 =	sadd.s32 $0x20, s16;
	s20 =	sor.u32 $0x800, s18;
	(pc) =	sbr.rel @p0 .LBB2_2-.Ltmp0, $4  }
0x1e: {  	[tilespmem:s20], [sflag:$0x1] =	stream.linear.gather [hbm4b:s19+s2], $0x80, $0x38;
	[tilespmem:$0x8280] =	vst v63  }
0x1f: {  	s15 =	sadd.s32 $0x80, s15;
	s18 =	sor.u32 $0xC00, s18;
	s19 =	sadd.s32 $0x30, s16  }
0x20: {  	[tilespmem:s18], [sflag:$0x1] =	stream.linear.gather [hbm4b:s19+s2], $0x80, $0x38;
	[tilespmem:$0x8280] =	vst v63  }
0x21: {  	s18 =	sand.u32 $0x3000, s17;
	s19 =	sand.u32 $0x380, s15;
	s17 =	sadd.s32 $0x200, s17  }
0x22: {  	s15 =	sor.u32 s19, s18;
	s16 =	sadd.s32 $0x800, s16  }
0x23: {  	[tilespmem:s15], [sflag:$0x1] =	stream.linear.gather [hbm4b:s16+s2], $0x80, $0x38;
	[tilespmem:$0x8280] =	vst v63  }
0x24: {  	s17 =	sadd.s32 $0x10, s16;
	s18 =	sor.u32 $0x400, s15  }
0x25: {  	[tilespmem:s18], [sflag:$0x1] =	stream.linear.gather [hbm4b:s17+s2], $0x80, $0x38;
	[tilespmem:$0x8280] =	vst v63  }
0x26: {  	s29 =	sadd.s32 $0x20, s16;
	s30 =	sor.u32 $0x800, s15  }
0x27: {  	[tilespmem:s30], [sflag:$0x1] =	stream.linear.gather [hbm4b:s29+s2], $0x80, $0x38;
	[tilespmem:$0x8280] =	vst v63  }
0x28: {  	s16 =	sadd.s32 $0x30, s16;
	s15 =	sor.u32 $0xC00, s15  }
0x29: {  	[tilespmem:s15], [sflag:$0x1] =	stream.linear.gather [hbm4b:s16+s2], $0x80, $0x38;
	[tilespmem:$0x8280] =	vst v63  }
0x2a: {  	_ =	swait.ge [sflag:s10], $0x200  }
0x2b: {  	[sflag:s10] =	ssyncset.done $0x0  }
0x2c: {  	[sflag:s10] =	ssyncadd.s32 $0xFFFFFE00  }
0x2d: {  	_ =	swait.ge [sflag:s10], $0x200  }
0x2e: {  	[sflag:s10] =	ssyncset.done $0x0  }
0x2f: {  	[sflag:s10] =	ssyncadd.s32 $0xFFFFFE00  }
0x30: {  	_ =	swait.ge [sflag:s10], $0x200  }
0x31: {  	[sflag:s10] =	ssyncset.done $0x0  }
0x32: {  	[sflag:s10] =	ssyncadd.s32 $0xFFFFFE00  }
0x33: {  	_ =	swait.ge [sflag:s10], $0x200  }
0x34: {  	[sflag:s10] =	ssyncset.done $0x0  }
0x35: {  	[sflag:s10] =	ssyncadd.s32 $0xFFFFFE00  }
0x36: {  	_ =	swait.ge [sflag:s10], $0x200  }
0x37: {  	[sflag:s10] =	ssyncset.done $0x0  }
0x38: {  	[sflag:s10] =	ssyncadd.s32 $0xFFFFFE00  }
0x39: {  	_ =	swait.ge [sflag:s10], $0x200  }
0x3a: {  	[sflag:s10] =	ssyncset.done $0x0  }
0x3b: {  	[sflag:s10] =	ssyncadd.s32 $0xFFFFFE00  }
0x3c: {  	_ =	swait.ge [sflag:s10], $0x200  }
0x3d: {  	[sflag:s10] =	ssyncset.done $0x0  }
0x3e: {  	[sflag:s10] =	ssyncadd.s32 $0xFFFFFE00  }
0x3f: {  	_ =	swait.ge [sflag:s10], $0x200  }
0x40: {  	[sflag:s10] =	ssyncset.done $0x0  }
0x41: {  	[sflag:s10] =	ssyncadd.s32 $0xFFFFFE00  }
0x42: {  	_ =	swait.ge [sflag:s10], $0x200  }
0x43: {  	[sflag:s10] =	ssyncset.done $0x0  }
0x44: {  	[sflag:s10] =	ssyncadd.s32 $0xFFFFFE00  }
0x45: {  	_ =	swait.ge [sflag:s10], $0x200  }
0x46: {  	[sflag:s10] =	ssyncset.done $0x0  }
0x47: {  	[sflag:s10] =	ssyncadd.s32 $0xFFFFFE00  }
0x48: {  	_ =	swait.ge [sflag:s10], $0x200  }
0x49: {  	[sflag:s10] =	ssyncset.done $0x0  }
0x4a: {  	[sflag:s10] =	ssyncadd.s32 $0xFFFFFE00  }
0x4b: {  	_ =	swait.ge [sflag:s10], $0x200  }
0x4c: {  	[sflag:s10] =	ssyncset.done $0x0  }
0x4d: {  	[sflag:s10] =	ssyncadd.s32 $0xFFFFFE00  }
0x4e: {  	_ =	swait.ge [sflag:s10], $0x200  }
0x4f: {  	[sflag:s10] =	ssyncset.done $0x0  }
0x50: {  	[sflag:s10] =	ssyncadd.s32 $0xFFFFFE00  }
0x51: {  	_ =	swait.ge [sflag:s10], $0x200  }
0x52: {  	[sflag:s10] =	ssyncset.done $0x0  }
0x53: {  	[sflag:s10] =	ssyncadd.s32 $0xFFFFFE00  }
0x54: {  	_ =	swait.ge [sflag:s10], $0x200  }
0x55: {  	[sflag:s10] =	ssyncset.done $0x0  }
0x56: {  	[sflag:s10] =	ssyncadd.s32 $0xFFFFFE00  }
0x57: {  	_ =	swait.ge [sflag:s10], $0x200  }
0x58: {  	[sflag:s10] =	ssyncset.done $0x0  }
0x59: {  	[sflag:s10] =	ssyncadd.s32 $0xFFFFFE00  }
0x5a: {  	_ =	swait.ge [sflag:s10], $0x200  }
0x5b: {  	[sflag:s10] =	ssyncset.done $0x0  }
0x5c: {  	[sflag:s10] =	ssyncadd.s32 $0xFFFFFE00  }
0x5d: {  	_ =	swait.ge [sflag:s10], $0x200  }
0x5e: {  	[sflag:s10] =	ssyncset.done $0x0  }
0x5f: {  	[sflag:s10] =	ssyncadd.s32 $0xFFFFFE00  }
0x60: {  	_ =	swait.ge [sflag:s10], $0x200  }
0x61: {  	[sflag:s10] =	ssyncset.done $0x0  }
0x62: {  	[sflag:s10] =	ssyncadd.s32 $0xFFFFFE00  }
0x63: {  	_ =	swait.ge [sflag:s10], $0x200  }
0x64: {  	[sflag:s10] =	ssyncset.done $0x0  }
0x65: {  	[sflag:s10] =	ssyncadd.s32 $0xFFFFFE00  }
0x66: {  	_ =	swait.ge [sflag:s10], $0x200  }
0x67: {  	[sflag:s10] =	ssyncset.done $0x0  }
0x68: {  	[sflag:s10] =	ssyncadd.s32 $0xFFFFFE00  }
0x69: {  	_ =	swait.ge [sflag:s10], $0x200  }
0x6a: {  	[sflag:s10] =	ssyncset.done $0x0  }
0x6b: {  	[sflag:s10] =	ssyncadd.s32 $0xFFFFFE00  }
0x6c: {  	_ =	swait.ge [sflag:s10], $0x200  }
0x6d: {  	[sflag:s10] =	ssyncset.done $0x0  }
0x6e: {  	[sflag:s10] =	ssyncadd.s32 $0xFFFFFE00  }
0x6f: {  	_ =	swait.ge [sflag:s10], $0x200  }
0x70: {  	[sflag:s10] =	ssyncset.done $0x0  }
0x71: {  	[sflag:s10] =	ssyncadd.s32 $0xFFFFFE00  }
0x72: {  	_ =	swait.ge [sflag:s10], $0x200  }
0x73: {  	[sflag:s10] =	ssyncset.done $0x0  }
0x74: {  	[sflag:s10] =	ssyncadd.s32 $0xFFFFFE00  }
0x75: {  	s19 =	simm.s32 $0x0;
	s15 =	simm.s32 $0x0;
	_ =	swait.ge [sflag:s10], $0x200  }
0x76: {  	s18 =	sand.u32 $0x3000, s15;
	s31 =	sand.u32 $0x380, s15;
	[sflag:s10] =	ssyncset.done $0x0  }
0x77: {  	s16 =	simm.s32 $0x200;
	s17 =	sor.u32 s31, s18;
	[sflag:s10] =	ssyncadd.s32 $0xFFFFFE00  }
.LBB2_4:
0x78: {  	p0 =	sne.s32 s16, $0x3200  }
0x79: {  	s20 =	sor.u32 $0x4000, s17;
	s15 =	sadd.s32 $0x80, s15;
	s21 =	sor.u32 $0x4400, s17  }
0x7a: {  	[tilespmem:s20], [sflag:$0x2] =	stream.indirect.gather [hbm4b:s3+s11], $0x1, s17, s11, $0xb8;
	[tilespmem:$0x8280] =	vst v63  }
0x7b: {  	s18 =	sor.u32 s18, s19;
	s19 =	sor.u32 $0x800, s17;
	s20 =	sor.u32 $0x400, s17  }
0x7c: {  	[tilespmem:s21], [sflag:$0x2] =	stream.indirect.gather [hbm4b:s3+s11], $0x1, s20, s11, $0xb8;
	[tilespmem:$0x8280] =	vst v63  }
.Ltmp1:
0x7d: {  	s17 =	sor.u32 $0x4800, s17;
	s20 =	sor.u32 $0xC00, s18;
	(pc) =	sbr.rel @p0 .LBB2_4-.Ltmp1, $4  }
0x7e: {  	[tilespmem:s17], [sflag:$0x2] =	stream.indirect.gather [hbm4b:s3+s11], $0x1, s19, s11, $0xb8;
	[tilespmem:$0x8280] =	vst v63  }
0x7f: {  	s18 =	sand.u32 $0x3000, s16;
	s17 =	sand.u32 $0x380, s15;
	s19 =	sadd.s32 $0x4000, s20  }
0x80: {  	[tilespmem:s19], [sflag:$0x2] =	stream.indirect.gather [hbm4b:s3+s11], $0x1, s20, s11, $0xb8;
	[tilespmem:$0x8280] =	vst v63  }
0x81: {  	s16 =	sadd.s32 $0x200, s16;
	s17 =	sor.u32 s17, s18;
	s19 =	smov.u32 s15  }
0x82: {  	s15 =	sor.u32 $0x4000, s17  }
0x83: {  	[tilespmem:s15], [sflag:$0x2] =	stream.indirect.gather [hbm4b:s3+s11], $0x1, s17, s11, $0xb8;
	[tilespmem:$0x8280] =	vst v63  }
0x84: {  	s23 =	sor.u32 $0x400, s17;
	s16 =	sor.u32 $0x4400, s17;
	s18 =	sor.u32 s18, s19  }
0x85: {  	[tilespmem:s16], [sflag:$0x2] =	stream.indirect.gather [hbm4b:s3+s11], $0x1, s23, s11, $0xb8;
	[tilespmem:$0x8280] =	vst v63  }
0x86: {  	s24 =	sor.u32 $0x800, s17;
	s25 =	sor.u32 $0x4800, s17;
	s26 =	sor.u32 $0xC00, s18  }
0x87: {  	[tilespmem:s25], [sflag:$0x2] =	stream.indirect.gather [hbm4b:s3+s11], $0x1, s24, s11, $0xb8;
	[tilespmem:$0x8280] =	vst v63  }
0x88: {  	s28 =	sadd.s32 $0x4000, s26  }
0x89: {  	[tilespmem:s28], [sflag:$0x2] =	stream.indirect.gather [hbm4b:s3+s11], $0x1, s26, s11, $0xb8;
	[tilespmem:$0x8280] =	vst v63  }
0x8a: {  	_ =	swait.ge [sflag:s12], $0x200  }
0x8b: {  	[sflag:s12] =	ssyncset.done $0x0  }
0x8c: {  	[sflag:s12] =	ssyncadd.s32 $0xFFFFFE00  }
0x8d: {  	_ =	swait.ge [sflag:s12], $0x200  }
0x8e: {  	[sflag:s12] =	ssyncset.done $0x0  }
0x8f: {  	[sflag:s12] =	ssyncadd.s32 $0xFFFFFE00  }
0x90: {  	_ =	swait.ge [sflag:s12], $0x200  }
0x91: {  	[sflag:s12] =	ssyncset.done $0x0  }
0x92: {  	[sflag:s12] =	ssyncadd.s32 $0xFFFFFE00  }
0x93: {  	_ =	swait.ge [sflag:s12], $0x200  }
0x94: {  	[sflag:s12] =	ssyncset.done $0x0  }
0x95: {  	[sflag:s12] =	ssyncadd.s32 $0xFFFFFE00  }
0x96: {  	_ =	swait.ge [sflag:s12], $0x200  }
0x97: {  	[sflag:s12] =	ssyncset.done $0x0  }
0x98: {  	[sflag:s12] =	ssyncadd.s32 $0xFFFFFE00  }
0x99: {  	_ =	swait.ge [sflag:s12], $0x200  }
0x9a: {  	[sflag:s12] =	ssyncset.done $0x0  }
0x9b: {  	[sflag:s12] =	ssyncadd.s32 $0xFFFFFE00  }
0x9c: {  	_ =	swait.ge [sflag:s12], $0x200  }
0x9d: {  	[sflag:s12] =	ssyncset.done $0x0  }
0x9e: {  	[sflag:s12] =	ssyncadd.s32 $0xFFFFFE00  }
0x9f: {  	_ =	swait.ge [sflag:s12], $0x200  }
0xa0: {  	[sflag:s12] =	ssyncset.done $0x0  }
0xa1: {  	[sflag:s12] =	ssyncadd.s32 $0xFFFFFE00  }
0xa2: {  	_ =	swait.ge [sflag:s12], $0x200  }
0xa3: {  	[sflag:s12] =	ssyncset.done $0x0  }
0xa4: {  	[sflag:s12] =	ssyncadd.s32 $0xFFFFFE00  }
0xa5: {  	_ =	swait.ge [sflag:s12], $0x200  }
0xa6: {  	[sflag:s12] =	ssyncset.done $0x0  }
0xa7: {  	[sflag:s12] =	ssyncadd.s32 $0xFFFFFE00  }
0xa8: {  	_ =	swait.ge [sflag:s12], $0x200  }
0xa9: {  	[sflag:s12] =	ssyncset.done $0x0  }
0xaa: {  	[sflag:s12] =	ssyncadd.s32 $0xFFFFFE00  }
0xab: {  	_ =	swait.ge [sflag:s12], $0x200  }
0xac: {  	[sflag:s12] =	ssyncset.done $0x0  }
0xad: {  	[sflag:s12] =	ssyncadd.s32 $0xFFFFFE00  }
0xae: {  	_ =	swait.ge [sflag:s12], $0x200  }
0xaf: {  	[sflag:s12] =	ssyncset.done $0x0  }
0xb0: {  	[sflag:s12] =	ssyncadd.s32 $0xFFFFFE00  }
0xb1: {  	_ =	swait.ge [sflag:s12], $0x200  }
0xb2: {  	[sflag:s12] =	ssyncset.done $0x0  }
0xb3: {  	[sflag:s12] =	ssyncadd.s32 $0xFFFFFE00  }
0xb4: {  	_ =	swait.ge [sflag:s12], $0x200  }
0xb5: {  	[sflag:s12] =	ssyncset.done $0x0  }
0xb6: {  	[sflag:s12] =	ssyncadd.s32 $0xFFFFFE00  }
0xb7: {  	_ =	swait.ge [sflag:s12], $0x200  }
0xb8: {  	[sflag:s12] =	ssyncset.done $0x0  }
0xb9: {  	[sflag:s12] =	ssyncadd.s32 $0xFFFFFE00  }
0xba: {  	_ =	swait.ge [sflag:s12], $0x200  }
0xbb: {  	[sflag:s12] =	ssyncset.done $0x0  }
0xbc: {  	[sflag:s12] =	ssyncadd.s32 $0xFFFFFE00  }
0xbd: {  	_ =	swait.ge [sflag:s12], $0x200  }
0xbe: {  	[sflag:s12] =	ssyncset.done $0x0  }
0xbf: {  	[sflag:s12] =	ssyncadd.s32 $0xFFFFFE00  }
0xc0: {  	_ =	swait.ge [sflag:s12], $0x200  }
0xc1: {  	[sflag:s12] =	ssyncset.done $0x0  }
0xc2: {  	[sflag:s12] =	ssyncadd.s32 $0xFFFFFE00  }
0xc3: {  	_ =	swait.ge [sflag:s12], $0x200  }
0xc4: {  	[sflag:s12] =	ssyncset.done $0x0  }
0xc5: {  	[sflag:s12] =	ssyncadd.s32 $0xFFFFFE00  }
0xc6: {  	_ =	swait.ge [sflag:s12], $0x200  }
0xc7: {  	[sflag:s12] =	ssyncset.done $0x0  }
0xc8: {  	[sflag:s12] =	ssyncadd.s32 $0xFFFFFE00  }
0xc9: {  	_ =	swait.ge [sflag:s12], $0x200  }
0xca: {  	[sflag:s12] =	ssyncset.done $0x0  }
0xcb: {  	[sflag:s12] =	ssyncadd.s32 $0xFFFFFE00  }
0xcc: {  	_ =	swait.ge [sflag:s12], $0x200  }
0xcd: {  	[sflag:s12] =	ssyncset.done $0x0  }
0xce: {  	[sflag:s12] =	ssyncadd.s32 $0xFFFFFE00  }
0xcf: {  	_ =	swait.ge [sflag:s12], $0x200  }
0xd0: {  	[sflag:s12] =	ssyncset.done $0x0  }
0xd1: {  	[sflag:s12] =	ssyncadd.s32 $0xFFFFFE00  }
0xd2: {  	_ =	swait.ge [sflag:s12], $0x200  }
0xd3: {  	[sflag:s12] =	ssyncset.done $0x0  }
0xd4: {  	[sflag:s12] =	ssyncadd.s32 $0xFFFFFE00  }
0xd5: {  	_ =	swait.ge [sflag:s12], $0x200  }
0xd6: {  	s29 =	simm.s32 $0x0;
	[sflag:s12] =	ssyncset.done $0x0  }
0xd7: {  	s30 =	sand.u32 $0x70, s29;
	s15 =	sand.u32 $0xC00, s29;
	[sflag:s12] =	ssyncadd.s32 $0xFFFFFE00  }
0xd8: {  	s15 =	sor.u32 s30, s15;
	v0 =	vld [tilespmem:$0x8200]  }
0xd9: {  	v1 =	vld [tilespmem:s15+$0x4000];
	_ =	sdelay $0x1  }
0xda: {  	v2 =	vld [tilespmem:s15+$0x4080];
	_ =	sdelay $0x1  }
0xdb: {  	v3 =	vld [tilespmem:s15+$0x4100]  }
0xdc: {  	v1 =	vadd.f32 v1, v0  }
0xdd: {  	v4 =	vld [tilespmem:s15+$0x4180]  }
0xde: {  	v1 =	vadd.f32 v2, v1  }
0xdf: {  	v2 =	vld [tilespmem:s15+$0x4200]  }
0xe0: {  	v1 =	vadd.f32 v3, v1  }
0xe1: {  	v3 =	vld [tilespmem:s15+$0x4280]  }
0xe2: {  	v1 =	vadd.f32 v4, v1  }
0xe3: {  	v57 =	vld [tilespmem:s15+$0x4300]  }
0xe4: {  	v1 =	vadd.f32 v2, v1  }
0xe5: {  	v2 =	vld [tilespmem:s15+$0x4380]  }
0xe6: {  	v1 =	vadd.f32 v3, v1  }
0xe7: {  	v3 =	vld [tilespmem:s15+$0x5000]  }
0xe8: {  	v1 =	vadd.f32 v57, v1  }
0xe9: {  	v58 =	vld [tilespmem:s15+$0x5080]  }
0xea: {  	v1 =	vadd.f32 v2, v1  }
0xeb: {  	v2 =	vld [tilespmem:s15+$0x5100]  }
0xec: {  	v1 =	vadd.f32 v3, v1  }
0xed: {  	v3 =	vld [tilespmem:s15+$0x5180]  }
0xee: {  	v1 =	vadd.f32 v58, v1  }
0xef: {  	v59 =	vld [tilespmem:s15+$0x5200]  }
0xf0: {  	v1 =	vadd.f32 v2, v1  }
0xf1: {  	v2 =	vld [tilespmem:s15+$0x5280]  }
0xf2: {  	v1 =	vadd.f32 v3, v1  }
0xf3: {  	v3 =	vld [tilespmem:s15+$0x5300]  }
0xf4: {  	v1 =	vadd.f32 v59, v1  }
0xf5: {  	v60 =	vld [tilespmem:s15+$0x5380]  }
0xf6: {  	v1 =	vadd.f32 v2, v1  }
0xf7: {  	v2 =	vld [tilespmem:s15+$0x6000]  }
0xf8: {  	v1 =	vadd.f32 v3, v1  }
0xf9: {  	v3 =	vld [tilespmem:s15+$0x6080]  }
0xfa: {  	v1 =	vadd.f32 v60, v1  }
0xfb: {  	v61 =	vld [tilespmem:s15+$0x6100]  }
0xfc: {  	v1 =	vadd.f32 v2, v1  }
0xfd: {  	v2 =	vld [tilespmem:s15+$0x6180]  }
0xfe: {  	v1 =	vadd.f32 v3, v1  }
0xff: {  	v3 =	vld [tilespmem:s15+$0x6200]  }
0x100: {  	v1 =	vadd.f32 v61, v1  }
0x101: {  	v62 =	vld [tilespmem:s15+$0x6280]  }
0x102: {  	v1 =	vadd.f32 v2, v1  }
0x103: {  	v2 =	vld [tilespmem:s15+$0x6300]  }
0x104: {  	v1 =	vadd.f32 v3, v1  }
0x105: {  	v3 =	vld [tilespmem:s15+$0x6380]  }
0x106: {  	v1 =	vadd.f32 v62, v1  }
0x107: {  	v63 =	vld [tilespmem:s15+$0x7000]  }
0x108: {  	v1 =	vadd.f32 v2, v1  }
0x109: {  	v2 =	vld [tilespmem:s15+$0x7080]  }
0x10a: {  	v1 =	vadd.f32 v3, v1;
	_ =	sdelay $0x1  }
0x10b: {  	v1 =	vadd.f32 v63, v1  }
0x10c: {  	s31 =	simm.s32 $0x10  }
0x10d: {  	s18 =	sand.u32 $0x70, s31;
	s16 =	simm.s32 $0x80;
	v1 =	vadd.f32 v2, v1  }
0x10e: {  	s17 =	simm.s32 $0x20;
	s19 =	sand.u32 $0xC00, s16;
	s15 =	simm.s32 $0x8000  }
.LBB2_6:
0x10f: {  	p0 =	sne.s32 s17, $0x1F0;
	s18 =	sor.u32 s18, s19;
	[tilespmem:s15+$0x0] =	vst v1  }
0x110: {  	v1 =	vld [tilespmem:s18+$0x4000];
	_ =	sdelay $0x1  }
0x111: {  	v2 =	vld [tilespmem:s18+$0x4080];
	_ =	sdelay $0x1  }
0x112: {  	v3 =	vld [tilespmem:s18+$0x4100]  }
0x113: {  	v1 =	vadd.f32 v1, v0  }
0x114: {  	v4 =	vld [tilespmem:s18+$0x4180]  }
0x115: {  	v1 =	vadd.f32 v2, v1  }
0x116: {  	v2 =	vld [tilespmem:s18+$0x4200]  }
0x117: {  	v1 =	vadd.f32 v3, v1  }
0x118: {  	v3 =	vld [tilespmem:s18+$0x4280]  }
0x119: {  	v1 =	vadd.f32 v4, v1  }
0x11a: {  	v4 =	vld [tilespmem:s18+$0x4300]  }
0x11b: {  	v1 =	vadd.f32 v2, v1  }
0x11c: {  	v2 =	vld [tilespmem:s18+$0x4380]  }
0x11d: {  	v1 =	vadd.f32 v3, v1  }
0x11e: {  	v3 =	vld [tilespmem:s18+$0x5000]  }
0x11f: {  	v1 =	vadd.f32 v4, v1  }
0x120: {  	v4 =	vld [tilespmem:s18+$0x5080]  }
0x121: {  	v1 =	vadd.f32 v2, v1  }
0x122: {  	v2 =	vld [tilespmem:s18+$0x5100]  }
0x123: {  	v1 =	vadd.f32 v3, v1  }
0x124: {  	v3 =	vld [tilespmem:s18+$0x5180]  }
0x125: {  	v1 =	vadd.f32 v4, v1  }
0x126: {  	v4 =	vld [tilespmem:s18+$0x5200]  }
0x127: {  	v1 =	vadd.f32 v2, v1  }
0x128: {  	v2 =	vld [tilespmem:s18+$0x5280]  }
0x129: {  	v1 =	vadd.f32 v3, v1  }
0x12a: {  	v3 =	vld [tilespmem:s18+$0x5300]  }
0x12b: {  	v1 =	vadd.f32 v4, v1  }
0x12c: {  	v4 =	vld [tilespmem:s18+$0x5380]  }
0x12d: {  	v1 =	vadd.f32 v2, v1  }
0x12e: {  	v2 =	vld [tilespmem:s18+$0x6000]  }
0x12f: {  	v1 =	vadd.f32 v3, v1  }
0x130: {  	v3 =	vld [tilespmem:s18+$0x6080]  }
0x131: {  	v1 =	vadd.f32 v4, v1  }
0x132: {  	v4 =	vld [tilespmem:s18+$0x6100]  }
0x133: {  	v1 =	vadd.f32 v2, v1  }
0x134: {  	v2 =	vld [tilespmem:s18+$0x6180]  }
0x135: {  	v1 =	vadd.f32 v3, v1  }
0x136: {  	v3 =	vld [tilespmem:s18+$0x6200]  }
0x137: {  	v1 =	vadd.f32 v4, v1  }
0x138: {  	v4 =	vld [tilespmem:s18+$0x6280]  }
0x139: {  	v1 =	vadd.f32 v2, v1  }
0x13a: {  	v2 =	vld [tilespmem:s18+$0x6300]  }
0x13b: {  	v1 =	vadd.f32 v3, v1  }
0x13c: {  	v3 =	vld [tilespmem:s18+$0x6380]  }
0x13d: {  	v1 =	vadd.f32 v4, v1  }
0x13e: {  	v4 =	vld [tilespmem:s18+$0x7000]  }
0x13f: {  	v1 =	vadd.f32 v2, v1  }
0x140: {  	v2 =	vld [tilespmem:s18+$0x7080]  }
0x141: {  	v1 =	vadd.f32 v3, v1  }
.Ltmp2:
0x142: {  	(pc) =	sbr.rel @p0 .LBB2_6-.Ltmp2, $3  }
0x143: {  	v1 =	vadd.f32 v4, v1;
	_ =	sdelay $0x1  }
0x144: {  	s16 =	sadd.s32 $0x80, s16;
	s15 =	sadd.s32 $0x10, s15;
	v1 =	vadd.f32 v2, v1  }
0x145: {  	s19 =	sand.u32 $0xC00, s16;
	s18 =	sand.u32 $0x70, s17;
	s17 =	sadd.s32 $0x10, s17  }
0x146: {  	s16 =	sor.u32 s18, s19;
	[tilespmem:s15+$0x0] =	vst v1  }
0x147: {  	v1 =	vld [tilespmem:s16+$0x4000];
	_ =	sdelay $0x1  }
0x148: {  	v2 =	vld [tilespmem:s16+$0x4080];
	_ =	sdelay $0x1  }
0x149: {  	v3 =	vld [tilespmem:s16+$0x4100]  }
0x14a: {  	v0 =	vadd.f32 v1, v0  }
0x14b: {  	v41 =	vld [tilespmem:s16+$0x4180]  }
0x14c: {  	v0 =	vadd.f32 v2, v0  }
0x14d: {  	v42 =	vld [tilespmem:s16+$0x4200]  }
0x14e: {  	v0 =	vadd.f32 v3, v0  }
0x14f: {  	v43 =	vld [tilespmem:s16+$0x4280]  }
0x150: {  	v0 =	vadd.f32 v41, v0  }
0x151: {  	v44 =	vld [tilespmem:s16+$0x4300]  }
0x152: {  	v0 =	vadd.f32 v42, v0  }
0x153: {  	v45 =	vld [tilespmem:s16+$0x4380]  }
0x154: {  	v0 =	vadd.f32 v43, v0  }
0x155: {  	v46 =	vld [tilespmem:s16+$0x5000]  }
0x156: {  	v0 =	vadd.f32 v44, v0  }
0x157: {  	v47 =	vld [tilespmem:s16+$0x5080]  }
0x158: {  	v0 =	vadd.f32 v45, v0  }
0x159: {  	v48 =	vld [tilespmem:s16+$0x5100]  }
0x15a: {  	v0 =	vadd.f32 v46, v0  }
0x15b: {  	v49 =	vld [tilespmem:s16+$0x5180]  }
0x15c: {  	v0 =	vadd.f32 v47, v0  }
0x15d: {  	v50 =	vld [tilespmem:s16+$0x5200]  }
0x15e: {  	v0 =	vadd.f32 v48, v0  }
0x15f: {  	v51 =	vld [tilespmem:s16+$0x5280]  }
0x160: {  	v0 =	vadd.f32 v49, v0  }
0x161: {  	v52 =	vld [tilespmem:s16+$0x5300]  }
0x162: {  	v0 =	vadd.f32 v50, v0  }
0x163: {  	v53 =	vld [tilespmem:s16+$0x5380]  }
0x164: {  	v0 =	vadd.f32 v51, v0  }
0x165: {  	v54 =	vld [tilespmem:s16+$0x6000]  }
0x166: {  	v0 =	vadd.f32 v52, v0  }
0x167: {  	v55 =	vld [tilespmem:s16+$0x6080]  }
0x168: {  	v0 =	vadd.f32 v53, v0  }
0x169: {  	v56 =	vld [tilespmem:s16+$0x6100]  }
0x16a: {  	v0 =	vadd.f32 v54, v0  }
0x16b: {  	v57 =	vld [tilespmem:s16+$0x6180]  }
0x16c: {  	v0 =	vadd.f32 v55, v0  }
0x16d: {  	v58 =	vld [tilespmem:s16+$0x6200]  }
0x16e: {  	v0 =	vadd.f32 v56, v0  }
0x16f: {  	v59 =	vld [tilespmem:s16+$0x6280]  }
0x170: {  	v0 =	vadd.f32 v57, v0  }
0x171: {  	v60 =	vld [tilespmem:s16+$0x6300]  }
0x172: {  	v0 =	vadd.f32 v58, v0  }
0x173: {  	v61 =	vld [tilespmem:s16+$0x6380]  }
0x174: {  	v0 =	vadd.f32 v59, v0  }
0x175: {  	v62 =	vld [tilespmem:s16+$0x7000]  }
0x176: {  	v0 =	vadd.f32 v60, v0  }
0x177: {  	v63 =	vld [tilespmem:s16+$0x7080]  }
0x178: {  	v0 =	vadd.f32 v61, v0;
	_ =	sdelay $0x1  }
0x179: {  	v0 =	vadd.f32 v62, v0;
	_ =	sdelay $0x1  }
0x17a: {  	s14 =	sadd.s32 $0x1, s14;
	v0 =	vadd.f32 v63, v0  }
0x17b: {  	s31 =	sadd.s32 $0x10, s15;
	p0 =	sne.s32 s14, s6  }
.Ltmp3:
0x17c: {  	[tilespmem:s31+$0x0] =	vst v0;
	(pc) =	sbr.rel @p0 .LBB2_1-.Ltmp3, $4  }
0x17d: {  	[hbm4b:s5+s2] =	stream.linear.scatter [tilespmem:s13], [sflag:$0x3], $0x200, $0x38;
	[tilespmem:$0x8280] =	vst v63  }
0x17e: {  	_ =	swait.ge [sflag:s9], $0x200  }
0x17f: {  	[sflag:s9] =	ssyncset.done $0x0  }
0x180: {  	[sflag:s9] =	ssyncadd.s32 $0xFFFFFE00  }
0x181: {  	_ =	sfence.sel $0x180000  }
0x182: {  	[bflag:$0x0] =	sbarrier.arrive $0xFFFF  }
0x183: {  	p0 =	sne.s32 s1, $0x0;
	_ =	strace $0x90000047  }
0x184: {  	s0 =	sadd.s32 @!p0 $0x100000, s0;
	[bflag:$0x2] =	sbarrier.arrive $0xFFFF  }
0x185: {  	[sflag:s0] =	ssyncadd.tile.s32 @!p0 $0x1;
	_ =	shalt  }
.Lfunc_end2:
_tile_overlayer_lowered:
.L_overlay_start_2:
0x186: {  	(tag) =	ssettag $0x2  }
0x187: {  	s0 =	rddreg [dreg:$0x0];
	s2 =	stileid.u32  }
0x188: {  	s1 =	rddreg [dreg:$0x1];
	p0 =	sne.s32 s2, $0x0  }
0x189: {  	s3 =	rddreg [dreg:$0x2];
	[bflag:$0x3] =	sbarrier.arrive $0xFFFF;
	s2 =	simm.s32 @!p0 $0x1C03  }
0x18a: {  	[timem:s3], [sflag:s2] =	dma.local @!p0 [hbm:s0], s1  }
0x18b: {  	s0 =	simm.s32 @!p0 $0x3  }
0x18c: {  	_ =	swait.ge @!p0 [sflag:s0], s1  }
0x18d: {  	s1 =	ssub.s32 @!p0 $0x0, s1;
	[sflag:s0] =	ssyncset.done @!p0 $0x0  }
0x18e: {  	[sflag:s0] =	ssyncadd.s32 @!p0 s1  }
0x18f: {  	[bflag:$0x3] =	sbarrier.arrive $0xFFFF  }
0x190: {  	_ =	shalt  }

</sc_bundles>
